<compile_context>
chip_gen: v7x
topology: tpu7x:2x2x1
jax: 0.10.2.dev20260603
libtpu: 0.0.44.dev20260713+nightly
codegen_flags: <defaults>
</compile_context>

<pallas_src>
import functools

import jax
import jax.numpy as jnp
from jax import lax
from jax.experimental import pallas as pl
from jax.experimental.pallas import tpu as pltpu
from jax.experimental.pallas import tpu_sc as plsc

B = 4096
NODE_ID_DIM = 64
OUT_DIM = 128
ISS_PAD = 2048
ISS_BS = 2048
CAT_PAD = 128


_NC, _NS = 2, 16
_NW = _NC * _NS
_BPW = B // _NW

_sc_mesh = plsc.VectorSubcoreMesh(core_axis_name="c", subcore_axis_name="s")


@functools.partial(
    pl.kernel,
    out_type=(jax.ShapeDtypeStruct((B,), jnp.int32),
              jax.ShapeDtypeStruct((B,), jnp.int32)),
    mesh=_sc_mesh,
    scratch_types=[pltpu.VMEM((_BPW,), jnp.int32),
                   pltpu.VMEM((_BPW,), jnp.int32),
                   pltpu.VMEM((_BPW,), jnp.int32),
                   pltpu.SemaphoreType.DMA],
    compiler_params=pltpu.CompilerParams(use_tc_tiling_on_sc=False),
)
def _sc_gather(ids_hbm, iss_hbm, sec_hbm, iss_out, sec_out,
               idx_v, iss_v, sec_v, sem):
    wid = lax.axis_index("s") * _NC + lax.axis_index("c")
    base = wid * _BPW
    pltpu.sync_copy(ids_hbm.at[pl.ds(base, _BPW)], idx_v)
    c2 = pltpu.async_copy(iss_hbm.at[idx_v], iss_v, sem)
    c3 = pltpu.async_copy(sec_hbm.at[idx_v], sec_v, sem)
    c2.wait()
    c3.wait()
    pltpu.sync_copy(iss_v, iss_out.at[pl.ds(base, _BPW)])
    pltpu.sync_copy(sec_v, sec_out.at[pl.ds(base, _BPW)])


def _dense_body(eid_ref, iss_ref, sec_ref, catr_ref, catc_ref, nums_ref,
                ert_ref, ecty_ref, nW1_ref, nb1_ref, nW2_ref, nb2_ref,
                A_ref, ab1_ref, aW2_ref, ab2_ref, out_ref):
    f32 = jnp.float32
    iota_c = jax.lax.broadcasted_iota(jnp.int32, (B, CAT_PAD), 1)
    ones_col = jnp.full((B, 1), 1.0, f32)

    R = (catr_ref[:] == iota_c).astype(f32)
    e_rat = jnp.dot(R, ert_ref[:], preferred_element_type=f32)
    C = (catc_ref[:] == iota_c).astype(f32)
    e_cty = jnp.dot(C, ecty_ref[:], preferred_element_type=f32)

    h1 = jnp.maximum(jnp.dot(nums_ref[:], nW1_ref[:], preferred_element_type=f32)
                     + nb1_ref[:], 0.0)
    h_num = jnp.maximum(jnp.dot(h1, nW2_ref[:], preferred_element_type=f32)
                        + nb2_ref[:], 0.0)

    bf16 = jnp.bfloat16
    A_h = A_ref[:].astype(bf16)
    Y = (jnp.dot(eid_ref[:].astype(bf16), A_h[0:64, :], preferred_element_type=f32)
         + jnp.dot(e_rat.astype(bf16), A_h[64:80, :], preferred_element_type=f32)
         + jnp.dot(e_cty.astype(bf16), A_h[80:96, :], preferred_element_type=f32)
         + jnp.dot(h_num.astype(bf16), A_h[96:160, :], preferred_element_type=f32))
    Y1 = Y[:, 0:128]
    Y2 = Y[:, 128:256]
    Y3 = Y[:, 256:384]

    S = (sec_ref[:] == iota_c).astype(bf16)
    sec_sums = jax.lax.dot_general(S, Y3.astype(bf16), (((0,), (0,)), ((), ())),
                                   preferred_element_type=f32)
    sec_cnt = jax.lax.dot_general(S, ones_col.astype(bf16), (((0,), (0,)), ((), ())),
                                  preferred_element_type=f32)
    sec_means = sec_sums / jnp.maximum(sec_cnt, 1.0)
    h_sec = jnp.dot(S, sec_means.astype(bf16), preferred_element_type=f32)

    Y2h = Y2.astype(bf16)
    h_iss = jnp.zeros((B, OUT_DIM), f32)
    for k in range(ISS_PAD // ISS_BS):
        iota_k = jax.lax.broadcasted_iota(jnp.int32, (B, ISS_BS), 1) + k * ISS_BS
        Sk = (iss_ref[:] == iota_k).astype(bf16)
        sums_k = jax.lax.dot_general(Sk, Y2h, (((0,), (0,)), ((), ())),
                                     preferred_element_type=f32)
        cnt_k = jax.lax.dot_general(Sk, ones_col.astype(bf16), (((0,), (0,)), ((), ())),
                                    preferred_element_type=f32)
        means_k = sums_k / jnp.maximum(cnt_k, 1.0)
        h_iss = h_iss + jnp.dot(Sk, means_k.astype(bf16), preferred_element_type=f32)

    pre = jnp.maximum(Y1 + h_iss + h_sec + ab1_ref[:], 0.0)
    out_ref[:] = (jnp.dot(pre.astype(bf16), aW2_ref[:].astype(bf16),
                          preferred_element_type=f32) + ab2_ref[:])


def _dense_call(e_id, issuers, sectors, cat_rating, cat_country, nums,
                ert_pad, ecty_pad, nW1, nb1, nW2, nb2, A_comb, ab1, aW2, ab2):
    return pl.pallas_call(
        _dense_body,
        out_shape=jax.ShapeDtypeStruct((B, OUT_DIM), jnp.float32),
    )(e_id, issuers, sectors, cat_rating, cat_country, nums,
      ert_pad, ecty_pad, nW1, nb1, nW2, nb2, A_comb, ab1, aW2, ab2)


def kernel(node_ids, cat_rating, cat_country, nums, node_to_issuer, node_to_sector,
           id_emb, emb_rating, emb_country, nW1, nb1, nW2, nb2, aW1, ab1, aW2, ab2):
    issuers, sectors = _sc_gather(
        node_ids.astype(jnp.int32),
        node_to_issuer.astype(jnp.int32),
        node_to_sector.astype(jnp.int32))
    e_id = jnp.take(id_emb, node_ids, axis=0)

    ert_pad = jnp.zeros((CAT_PAD, 16), jnp.float32).at[:emb_rating.shape[0]].set(emb_rating)
    ecty_pad = jnp.zeros((CAT_PAD, 16), jnp.float32).at[:emb_country.shape[0]].set(emb_country)
    A_comb = jnp.concatenate([aW1[0:160], aW1[160:320], aW1[320:480]], axis=1)

    return _dense_call(
        e_id,
        issuers.reshape(B, 1),
        sectors.reshape(B, 1),
        cat_rating.reshape(B, 1).astype(jnp.int32),
        cat_country.reshape(B, 1).astype(jnp.int32),
        nums,
        ert_pad, ecty_pad,
        nW1, nb1.reshape(1, -1), nW2, nb2.reshape(1, -1),
        A_comb, ab1.reshape(1, -1), aW2, ab2.reshape(1, -1),
    )

# --- scband reference (transcript-rebuilt; emitter-appended) ---
"""Pipeline reference for scband-bond-backbone-3332894622337 (READ-ONLY COPY).

The authoritative reference and input builder live on the scoring server;
editing this copy changes nothing except your own understanding.
"""

import jax, jax.numpy as jnp
import numpy as np

N_NODES = 100000
B = 4096
N_ISS = 2000
N_SEC = 32
NODE_ID_DIM = 64
NUM_HIDDEN = 64
OUT_DIM = 128
IN_DIM = NODE_ID_DIM + 16 + 16 + NUM_HIDDEN  # 160


def setup_inputs(seed: int = 0) -> dict:
    key = jax.random.key(seed)
    ks = jax.random.split(key, 16)
    inp = {}
    inp["node_ids"] = jax.random.randint(ks[0], (B,), 0, N_NODES)
    inp["cat_rating"] = jax.random.randint(ks[1], (B,), 0, 25)
    inp["cat_country"] = jax.random.randint(ks[2], (B,), 0, 64)
    inp["nums"] = jax.random.normal(ks[3], (B, 16), dtype=jnp.float32)
    inp["node_to_issuer"] = jax.random.randint(ks[4], (N_NODES,), 0, N_ISS)
    inp["node_to_sector"] = jax.random.randint(ks[5], (N_NODES,), 0, N_SEC)
    # learned parameters
    inp["id_emb"] = jax.random.normal(ks[6], (N_NODES, NODE_ID_DIM), dtype=jnp.float32) * 0.02
    inp["emb_rating"] = jax.random.normal(ks[7], (25, 16), dtype=jnp.float32) * 0.02
    inp["emb_country"] = jax.random.normal(ks[8], (64, 16), dtype=jnp.float32) * 0.02
    inp["nW1"] = jax.random.normal(ks[9], (16, NUM_HIDDEN), dtype=jnp.float32) * 0.1
    inp["nb1"] = jnp.zeros((NUM_HIDDEN,), dtype=jnp.float32)
    inp["nW2"] = jax.random.normal(ks[10], (NUM_HIDDEN, NUM_HIDDEN), dtype=jnp.float32) * 0.1
    inp["nb2"] = jnp.zeros((NUM_HIDDEN,), dtype=jnp.float32)
    inp["aW1"] = jax.random.normal(ks[11], (IN_DIM * 3, OUT_DIM), dtype=jnp.float32) * 0.05
    inp["ab1"] = jnp.zeros((OUT_DIM,), dtype=jnp.float32)
    inp["aW2"] = jax.random.normal(ks[12], (OUT_DIM, OUT_DIM), dtype=jnp.float32) * 0.05
    inp["ab2"] = jnp.zeros((OUT_DIM,), dtype=jnp.float32)
    return inp


def _mean_pool_batch_peers(h_self, group_ids, num_segments):
    # For each sample i, mean over batch samples j with group_ids[j] == group_ids[i].
    # Every sample is in its own group (mask always contains self), so counts >= 1
    # wherever we gather, matching the torch semantics.
    sums = jax.ops.segment_sum(h_self, group_ids, num_segments=num_segments)
    cnt = jax.ops.segment_sum(jnp.ones((h_self.shape[0], 1), h_self.dtype), group_ids, num_segments=num_segments)
    means = sums / jnp.maximum(cnt, 1.0)
    return means[group_ids]


def reference(node_ids, cat_rating, cat_country, nums, node_to_issuer, node_to_sector,
              id_emb, emb_rating, emb_country, nW1, nb1, nW2, nb2, aW1, ab1, aW2, ab2):
    h_num = jax.nn.relu(jax.nn.relu(nums @ nW1 + nb1) @ nW2 + nb2)
    h_self = jnp.concatenate([
        jnp.take(id_emb, node_ids, axis=0),
        jnp.take(emb_rating, cat_rating, axis=0),
        jnp.take(emb_country, cat_country, axis=0),
        h_num,
    ], axis=1)
    issuers = jnp.take(node_to_issuer, node_ids, axis=0)
    sectors = jnp.take(node_to_sector, node_ids, axis=0)
    h_iss = _mean_pool_batch_peers(h_self, issuers, N_ISS)
    h_sec = _mean_pool_batch_peers(h_self, sectors, N_SEC)
    h = jnp.concatenate([h_self, h_iss, h_sec], axis=1)
    return jax.nn.relu(h @ aW1 + ab1) @ aW2 + ab2

if __name__ == "__main__":
    import jax
    _d = setup_inputs()
    print(jax.jit(kernel)(*tuple(_d.values())))

</pallas_src>

<mosaic_0001>
#map = affine_map<(d0, d1) -> (0)>
module attributes {stable_mosaic.version = 14 : i64} {
  func.func @_sc_gather(%arg0: i32, %arg1: i32, %arg2: memref<4096xi32, #tpu.memory_space<hbm>>, %arg3: memref<100000xi32, #tpu.memory_space<hbm>>, %arg4: memref<100000xi32, #tpu.memory_space<hbm>>, %arg5: memref<4096xi32, #tpu.memory_space<hbm>>, %arg6: memref<4096xi32, #tpu.memory_space<hbm>>, %arg7: memref<128xi32, #tpu.memory_space<vmem>>, %arg8: memref<128xi32, #tpu.memory_space<vmem>>, %arg9: memref<128xi32, #tpu.memory_space<vmem>>, %arg10: memref<!tpu.dma_semaphore, #tpu.memory_space<semaphore_mem>>) attributes {dimension_semantics = [#tpu.dimension_semantics<core_parallel>, #tpu.dimension_semantics<subcore_parallel>], iteration_bounds = array<i64: 2, 16>, scalar_prefetch = 0 : i64, scratch_operands = 4 : i64, tpu.core_type = #tpu.core_type<sc_vector_subcore>, window_params = [{transform_indices = #map}, {transform_indices = #map}, {transform_indices = #map}, {transform_indices = #map}, {transform_indices = #map}]} {
    %mul3A = arith.constant 2 : i32
    %mul3A_0 = arith.muli %arg1, %mul3A : i32
    %add3A = arith.addi %mul3A_0, %arg0 : i32
    %mul3A_1 = arith.constant 128 : i32
    %mul3A_2 = arith.muli %add3A, %mul3A_1 : i32
    "tpu.region"() ({
      %run_scoped3A = tpu.sem_alloc : memref<!tpu.dma_semaphore, #tpu.memory_space<semaphore_mem>>
      %dma_start3A_9 = tpu.memref_slice %arg2[%mul3A_2] : memref<4096xi32, #tpu.memory_space<hbm>> -> memref<128xi32, #tpu.memory_space<hbm>>
      %dma_start3A_10 = tpu.memref_slice %arg2[%mul3A_2] : memref<4096xi32, #tpu.memory_space<hbm>> -> memref<128xi32, #tpu.memory_space<hbm>>
      tpu.enqueue_dma source(%dma_start3A_10 : memref<128xi32, #tpu.memory_space<hbm>>) target(%arg7 : memref<128xi32, #tpu.memory_space<vmem>>) target_semaphore(%run_scoped3A : memref<!tpu.dma_semaphore, #tpu.memory_space<semaphore_mem>>)
      %dma_wait3A_11 = tpu.memref_slice %arg2[%mul3A_2] : memref<4096xi32, #tpu.memory_space<hbm>> -> memref<128xi32, #tpu.memory_space<hbm>>
      %dma_wait3A_12 = tpu.memref_slice %arg2[%mul3A_2] : memref<4096xi32, #tpu.memory_space<hbm>> -> memref<128xi32, #tpu.memory_space<hbm>>
      tpu.wait_dma2 semaphore(%run_scoped3A : memref<!tpu.dma_semaphore, #tpu.memory_space<semaphore_mem>>) src(%dma_wait3A_12 : memref<128xi32, #tpu.memory_space<hbm>>) dst(%arg7 : memref<128xi32, #tpu.memory_space<vmem>>)
      tpu.yield
    }) : () -> ()
    %dma_start3A = arith.constant 0 : i32
    %dma_start3A_3 = tpu.memref_slice %arg3[%dma_start3A] : memref<100000xi32, #tpu.memory_space<hbm>> -> memref<100000xi32, #tpu.memory_space<hbm>>
    tpu.enqueue_indirect_dma source(%dma_start3A_3 : memref<100000xi32, #tpu.memory_space<hbm>>) target(%arg8 : memref<128xi32, #tpu.memory_space<vmem>>) offsets(%arg7 : memref<128xi32, #tpu.memory_space<vmem>>) semaphore(%arg10 : memref<!tpu.dma_semaphore, #tpu.memory_space<semaphore_mem>>)
    %dma_start3A_4 = arith.constant 0 : i32
    %dma_start3A_5 = tpu.memref_slice %arg4[%dma_start3A_4] : memref<100000xi32, #tpu.memory_space<hbm>> -> memref<100000xi32, #tpu.memory_space<hbm>>
    tpu.enqueue_indirect_dma source(%dma_start3A_5 : memref<100000xi32, #tpu.memory_space<hbm>>) target(%arg9 : memref<128xi32, #tpu.memory_space<vmem>>) offsets(%arg7 : memref<128xi32, #tpu.memory_space<vmem>>) semaphore(%arg10 : memref<!tpu.dma_semaphore, #tpu.memory_space<semaphore_mem>>)
    %dma_wait3A = arith.constant 0 : i32
    %dma_wait3A_6 = tpu.memref_slice %arg3[%dma_wait3A] : memref<100000xi32, #tpu.memory_space<hbm>> -> memref<100000xi32, #tpu.memory_space<hbm>>
    tpu.wait_indirect_dma semaphore(%arg10 : memref<!tpu.dma_semaphore, #tpu.memory_space<semaphore_mem>>) src(%dma_wait3A_6 : memref<100000xi32, #tpu.memory_space<hbm>>) dst(%arg8 : memref<128xi32, #tpu.memory_space<vmem>>)
    %dma_wait3A_7 = arith.constant 0 : i32
    %dma_wait3A_8 = tpu.memref_slice %arg4[%dma_wait3A_7] : memref<100000xi32, #tpu.memory_space<hbm>> -> memref<100000xi32, #tpu.memory_space<hbm>>
    tpu.wait_indirect_dma semaphore(%arg10 : memref<!tpu.dma_semaphore, #tpu.memory_space<semaphore_mem>>) src(%dma_wait3A_8 : memref<100000xi32, #tpu.memory_space<hbm>>) dst(%arg9 : memref<128xi32, #tpu.memory_space<vmem>>)
    "tpu.region"() ({
      %run_scoped3A = tpu.sem_alloc : memref<!tpu.dma_semaphore, #tpu.memory_space<semaphore_mem>>
      %dma_start3A_9 = tpu.memref_slice %arg5[%mul3A_2] : memref<4096xi32, #tpu.memory_space<hbm>> -> memref<128xi32, #tpu.memory_space<hbm>>
      %dma_start3A_10 = tpu.memref_slice %arg5[%mul3A_2] : memref<4096xi32, #tpu.memory_space<hbm>> -> memref<128xi32, #tpu.memory_space<hbm>>
      tpu.enqueue_dma source(%arg8 : memref<128xi32, #tpu.memory_space<vmem>>) target(%dma_start3A_10 : memref<128xi32, #tpu.memory_space<hbm>>) target_semaphore(%run_scoped3A : memref<!tpu.dma_semaphore, #tpu.memory_space<semaphore_mem>>)
      %dma_wait3A_11 = tpu.memref_slice %arg5[%mul3A_2] : memref<4096xi32, #tpu.memory_space<hbm>> -> memref<128xi32, #tpu.memory_space<hbm>>
      %dma_wait3A_12 = tpu.memref_slice %arg5[%mul3A_2] : memref<4096xi32, #tpu.memory_space<hbm>> -> memref<128xi32, #tpu.memory_space<hbm>>
      tpu.wait_dma2 semaphore(%run_scoped3A : memref<!tpu.dma_semaphore, #tpu.memory_space<semaphore_mem>>) src(%arg8 : memref<128xi32, #tpu.memory_space<vmem>>) dst(%dma_wait3A_12 : memref<128xi32, #tpu.memory_space<hbm>>)
      tpu.yield
    }) : () -> ()
    "tpu.region"() ({
      %run_scoped3A = tpu.sem_alloc : memref<!tpu.dma_semaphore, #tpu.memory_space<semaphore_mem>>
      %dma_start3A_9 = tpu.memref_slice %arg6[%mul3A_2] : memref<4096xi32, #tpu.memory_space<hbm>> -> memref<128xi32, #tpu.memory_space<hbm>>
      %dma_start3A_10 = tpu.memref_slice %arg6[%mul3A_2] : memref<4096xi32, #tpu.memory_space<hbm>> -> memref<128xi32, #tpu.memory_space<hbm>>
      tpu.enqueue_dma source(%arg9 : memref<128xi32, #tpu.memory_space<vmem>>) target(%dma_start3A_10 : memref<128xi32, #tpu.memory_space<hbm>>) target_semaphore(%run_scoped3A : memref<!tpu.dma_semaphore, #tpu.memory_space<semaphore_mem>>)
      %dma_wait3A_11 = tpu.memref_slice %arg6[%mul3A_2] : memref<4096xi32, #tpu.memory_space<hbm>> -> memref<128xi32, #tpu.memory_space<hbm>>
      %dma_wait3A_12 = tpu.memref_slice %arg6[%mul3A_2] : memref<4096xi32, #tpu.memory_space<hbm>> -> memref<128xi32, #tpu.memory_space<hbm>>
      tpu.wait_dma2 semaphore(%run_scoped3A : memref<!tpu.dma_semaphore, #tpu.memory_space<semaphore_mem>>) src(%arg9 : memref<128xi32, #tpu.memory_space<vmem>>) dst(%dma_wait3A_12 : memref<128xi32, #tpu.memory_space<hbm>>)
      tpu.yield
    }) : () -> ()
    return
  }
}

module attributes {stable_mosaic.version = 14 : i64} {
  func.func @_dense_body(%arg0: memref<4096x64xf32, #tpu.memory_space<vmem>>, %arg1: memref<4096x1xi32, #tpu.memory_space<vmem>>, %arg2: memref<4096x1xi32, #tpu.memory_space<vmem>>, %arg3: memref<4096x1xi32, #tpu.memory_space<vmem>>, %arg4: memref<4096x1xi32, #tpu.memory_space<vmem>>, %arg5: memref<4096x16xf32, #tpu.memory_space<vmem>>, %arg6: memref<128x16xf32, #tpu.memory_space<vmem>>, %arg7: memref<128x16xf32, #tpu.memory_space<vmem>>, %arg8: memref<16x64xf32, #tpu.memory_space<vmem>>, %arg9: memref<1x64xf32, #tpu.memory_space<vmem>>, %arg10: memref<64x64xf32, #tpu.memory_space<vmem>>, %arg11: memref<1x64xf32, #tpu.memory_space<vmem>>, %arg12: memref<160x384xf32, #tpu.memory_space<vmem>>, %arg13: memref<1x128xf32, #tpu.memory_space<vmem>>, %arg14: memref<128x128xf32, #tpu.memory_space<vmem>>, %arg15: memref<1x128xf32, #tpu.memory_space<vmem>>, %arg16: memref<4096x128xf32, #tpu.memory_space<vmem>>) attributes {dimension_semantics = [], scalar_prefetch = 0 : i64, scratch_operands = 0 : i64, tpu.core_type = #tpu.core_type<tc>} {
    %iota3A = tpu.iota {dimensions = array<i32: 1>} : vector<4096x128xi32>
    %broadcast_in_dim3A = arith.constant 1.000000e+00 : f32
    %broadcast_in_dim3A_0 = vector.broadcast %broadcast_in_dim3A : f32 to vector<4096x1xf32>
    %get3A = arith.constant 0 : index
    %get3A_1 = arith.constant 0 : index
    %get3A_2 = vector.load %arg3[%get3A, %get3A_1] : memref<4096x1xi32, #tpu.memory_space<vmem>>, vector<4096x1xi32>
    %eq3A = vector.broadcast %get3A_2 : vector<4096x1xi32> to vector<4096x128xi32>
    %eq3A_3 = arith.cmpi eq, %eq3A, %iota3A : vector<4096x128xi32>
    %convert_element_type3A = arith.extui %eq3A_3 : vector<4096x128xi1> to vector<4096x128xi32>
    %convert_element_type3A_4 = arith.sitofp %convert_element_type3A : vector<4096x128xi32> to vector<4096x128xf32>
    %get3A_5 = arith.constant 0 : index
    %get3A_6 = arith.constant 0 : index
    %get3A_7 = vector.load %arg6[%get3A_5, %get3A_6] : memref<128x16xf32, #tpu.memory_space<vmem>>, vector<128x16xf32>
    %dot_general3A = arith.constant dense<0.000000e+00> : vector<4096x16xf32>
    %dot_general3A_8 = tpu.matmul %convert_element_type3A_4, %get3A_7, %dot_general3A {dimension_numbers = #tpu.dot_dimension_numbers<[1], [0], [0], [1], [0, 0, 1, 1], [], []>, transpose_lhs_hint = false} : vector<4096x128xf32>, vector<128x16xf32>, vector<4096x16xf32> -> vector<4096x16xf32>
    %get3A_9 = arith.constant 0 : index
    %get3A_10 = arith.constant 0 : index
    %get3A_11 = vector.load %arg4[%get3A_9, %get3A_10] : memref<4096x1xi32, #tpu.memory_space<vmem>>, vector<4096x1xi32>
    %eq3A_12 = vector.broadcast %get3A_11 : vector<4096x1xi32> to vector<4096x128xi32>
    %eq3A_13 = arith.cmpi eq, %eq3A_12, %iota3A : vector<4096x128xi32>
    %convert_element_type3A_14 = arith.extui %eq3A_13 : vector<4096x128xi1> to vector<4096x128xi32>
    %convert_element_type3A_15 = arith.sitofp %convert_element_type3A_14 : vector<4096x128xi32> to vector<4096x128xf32>
    %get3A_16 = arith.constant 0 : index
    %get3A_17 = arith.constant 0 : index
    %get3A_18 = vector.load %arg7[%get3A_16, %get3A_17] : memref<128x16xf32, #tpu.memory_space<vmem>>, vector<128x16xf32>
    %dot_general3A_19 = arith.constant dense<0.000000e+00> : vector<4096x16xf32>
    %dot_general3A_20 = tpu.matmul %convert_element_type3A_15, %get3A_18, %dot_general3A_19 {dimension_numbers = #tpu.dot_dimension_numbers<[1], [0], [0], [1], [0, 0, 1, 1], [], []>, transpose_lhs_hint = false} : vector<4096x128xf32>, vector<128x16xf32>, vector<4096x16xf32> -> vector<4096x16xf32>
    %get3A_21 = arith.constant 0 : index
    %get3A_22 = arith.constant 0 : index
    %get3A_23 = vector.load %arg5[%get3A_21, %get3A_22] : memref<4096x16xf32, #tpu.memory_space<vmem>>, vector<4096x16xf32>
    %get3A_24 = arith.constant 0 : index
    %get3A_25 = arith.constant 0 : index
    %get3A_26 = vector.load %arg8[%get3A_24, %get3A_25] : memref<16x64xf32, #tpu.memory_space<vmem>>, vector<16x64xf32>
    %dot_general3A_27 = arith.constant dense<0.000000e+00> : vector<4096x64xf32>
    %dot_general3A_28 = tpu.matmul %get3A_23, %get3A_26, %dot_general3A_27 {dimension_numbers = #tpu.dot_dimension_numbers<[1], [0], [0], [1], [0, 0, 1, 1], [], []>, transpose_lhs_hint = false} : vector<4096x16xf32>, vector<16x64xf32>, vector<4096x64xf32> -> vector<4096x64xf32>
    %get3A_29 = arith.constant 0 : index
    %get3A_30 = arith.constant 0 : index
    %get3A_31 = vector.load %arg9[%get3A_29, %get3A_30] : memref<1x64xf32, #tpu.memory_space<vmem>>, vector<1x64xf32>
    %add3A = vector.broadcast %get3A_31 : vector<1x64xf32> to vector<4096x64xf32>
    %add3A_32 = arith.addf %dot_general3A_28, %add3A : vector<4096x64xf32>
    %max3A = arith.constant 0.000000e+00 : f32
    %max3A_33 = vector.broadcast %max3A : f32 to vector<4096x64xf32>
    %max3A_34 = arith.maximumf %add3A_32, %max3A_33 : vector<4096x64xf32>
    %get3A_35 = arith.constant 0 : index
    %get3A_36 = arith.constant 0 : index
    %get3A_37 = vector.load %arg10[%get3A_35, %get3A_36] : memref<64x64xf32, #tpu.memory_space<vmem>>, vector<64x64xf32>
    %dot_general3A_38 = arith.constant dense<0.000000e+00> : vector<4096x64xf32>
    %dot_general3A_39 = tpu.matmul %max3A_34, %get3A_37, %dot_general3A_38 {dimension_numbers = #tpu.dot_dimension_numbers<[1], [0], [0], [1], [0, 0, 1, 1], [], []>, transpose_lhs_hint = false} : vector<4096x64xf32>, vector<64x64xf32>, vector<4096x64xf32> -> vector<4096x64xf32>
    %get3A_40 = arith.constant 0 : index
    %get3A_41 = arith.constant 0 : index
    %get3A_42 = vector.load %arg11[%get3A_40, %get3A_41] : memref<1x64xf32, #tpu.memory_space<vmem>>, vector<1x64xf32>
    %add3A_43 = vector.broadcast %get3A_42 : vector<1x64xf32> to vector<4096x64xf32>
    %add3A_44 = arith.addf %dot_general3A_39, %add3A_43 : vector<4096x64xf32>
    %max3A_45 = arith.constant 0.000000e+00 : f32
    %max3A_46 = vector.broadcast %max3A_45 : f32 to vector<4096x64xf32>
    %max3A_47 = arith.maximumf %add3A_44, %max3A_46 : vector<4096x64xf32>
    %get3A_48 = arith.constant 0 : index
    %get3A_49 = arith.constant 0 : index
    %get3A_50 = vector.load %arg12[%get3A_48, %get3A_49] : memref<160x384xf32, #tpu.memory_space<vmem>>, vector<160x384xf32>
    %convert_element_type3A_51 = arith.truncf %get3A_50 : vector<160x384xf32> to vector<160x384xbf16>
    %get3A_52 = arith.constant 0 : index
    %get3A_53 = arith.constant 0 : index
    %get3A_54 = vector.load %arg0[%get3A_52, %get3A_53] : memref<4096x64xf32, #tpu.memory_space<vmem>>, vector<4096x64xf32>
    %convert_element_type3A_55 = arith.truncf %get3A_54 : vector<4096x64xf32> to vector<4096x64xbf16>
    %slice3A = vector.extract_strided_slice %convert_element_type3A_51 {offsets = [0, 0], sizes = [64, 384], strides = [1, 1]} : vector<160x384xbf16> to vector<64x384xbf16>
    %dot_general3A_56 = arith.constant dense<0.000000e+00> : vector<4096x384xf32>
    %dot_general3A_57 = tpu.matmul %convert_element_type3A_55, %slice3A, %dot_general3A_56 {dimension_numbers = #tpu.dot_dimension_numbers<[1], [0], [0], [1], [0, 0, 1, 1], [], []>, transpose_lhs_hint = false} : vector<4096x64xbf16>, vector<64x384xbf16>, vector<4096x384xf32> -> vector<4096x384xf32>
    %convert_element_type3A_58 = arith.truncf %dot_general3A_8 : vector<4096x16xf32> to vector<4096x16xbf16>
    %slice3A_59 = vector.extract_strided_slice %convert_element_type3A_51 {offsets = [64, 0], sizes = [16, 384], strides = [1, 1]} : vector<160x384xbf16> to vector<16x384xbf16>
    %dot_general3A_60 = arith.constant dense<0.000000e+00> : vector<4096x384xf32>
    %dot_general3A_61 = tpu.matmul %convert_element_type3A_58, %slice3A_59, %dot_general3A_60 {dimension_numbers = #tpu.dot_dimension_numbers<[1], [0], [0], [1], [0, 0, 1, 1], [], []>, transpose_lhs_hint = false} : vector<4096x16xbf16>, vector<16x384xbf16>, vector<4096x384xf32> -> vector<4096x384xf32>
    %add3A_62 = arith.addf %dot_general3A_57, %dot_general3A_61 : vector<4096x384xf32>
    %convert_element_type3A_63 = arith.truncf %dot_general3A_20 : vector<4096x16xf32> to vector<4096x16xbf16>
    %slice3A_64 = vector.extract_strided_slice %convert_element_type3A_51 {offsets = [80, 0], sizes = [16, 384], strides = [1, 1]} : vector<160x384xbf16> to vector<16x384xbf16>
    %dot_general3A_65 = arith.constant dense<0.000000e+00> : vector<4096x384xf32>
    %dot_general3A_66 = tpu.matmul %convert_element_type3A_63, %slice3A_64, %dot_general3A_65 {dimension_numbers = #tpu.dot_dimension_numbers<[1], [0], [0], [1], [0, 0, 1, 1], [], []>, transpose_lhs_hint = false} : vector<4096x16xbf16>, vector<16x384xbf16>, vector<4096x384xf32> -> vector<4096x384xf32>
    %add3A_67 = arith.addf %add3A_62, %dot_general3A_66 : vector<4096x384xf32>
    %convert_element_type3A_68 = arith.truncf %max3A_47 : vector<4096x64xf32> to vector<4096x64xbf16>
    %slice3A_69 = vector.extract_strided_slice %convert_element_type3A_51 {offsets = [96, 0], sizes = [64, 384], strides = [1, 1]} : vector<160x384xbf16> to vector<64x384xbf16>
    %dot_general3A_70 = arith.constant dense<0.000000e+00> : vector<4096x384xf32>
    %dot_general3A_71 = tpu.matmul %convert_element_type3A_68, %slice3A_69, %dot_general3A_70 {dimension_numbers = #tpu.dot_dimension_numbers<[1], [0], [0], [1], [0, 0, 1, 1], [], []>, transpose_lhs_hint = false} : vector<4096x64xbf16>, vector<64x384xbf16>, vector<4096x384xf32> -> vector<4096x384xf32>
    %add3A_72 = arith.addf %add3A_67, %dot_general3A_71 : vector<4096x384xf32>
    %slice3A_73 = vector.extract_strided_slice %add3A_72 {offsets = [0, 0], sizes = [4096, 128], strides = [1, 1]} : vector<4096x384xf32> to vector<4096x128xf32>
    %slice3A_74 = vector.extract_strided_slice %add3A_72 {offsets = [0, 128], sizes = [4096, 128], strides = [1, 1]} : vector<4096x384xf32> to vector<4096x128xf32>
    %slice3A_75 = vector.extract_strided_slice %add3A_72 {offsets = [0, 256], sizes = [4096, 128], strides = [1, 1]} : vector<4096x384xf32> to vector<4096x128xf32>
    %get3A_76 = arith.constant 0 : index
    %get3A_77 = arith.constant 0 : index
    %get3A_78 = vector.load %arg2[%get3A_76, %get3A_77] : memref<4096x1xi32, #tpu.memory_space<vmem>>, vector<4096x1xi32>
    %eq3A_79 = vector.broadcast %get3A_78 : vector<4096x1xi32> to vector<4096x128xi32>
    %eq3A_80 = arith.cmpi eq, %eq3A_79, %iota3A : vector<4096x128xi32>
    %convert_element_type3A_81 = arith.extui %eq3A_80 : vector<4096x128xi1> to vector<4096x128xi32>
    %convert_element_type3A_82 = arith.sitofp %convert_element_type3A_81 : vector<4096x128xi32> to vector<4096x128xf32>
    %convert_element_type3A_83 = arith.truncf %convert_element_type3A_82 : vector<4096x128xf32> to vector<4096x128xbf16>
    %convert_element_type3A_84 = arith.truncf %slice3A_75 : vector<4096x128xf32> to vector<4096x128xbf16>
    %dot_general3A_85 = arith.constant dense<0.000000e+00> : vector<128x128xf32>
    %dot_general3A_86 = tpu.matmul %convert_element_type3A_83, %convert_element_type3A_84, %dot_general3A_85 {dimension_numbers = #tpu.dot_dimension_numbers<[0], [0], [1], [1], [0, 1, 1, 1], [], []>, transpose_lhs_hint = false} : vector<4096x128xbf16>, vector<4096x128xbf16>, vector<128x128xf32> -> vector<128x128xf32>
    %convert_element_type3A_87 = arith.truncf %broadcast_in_dim3A_0 : vector<4096x1xf32> to vector<4096x1xbf16>
    %dot_general3A_88 = arith.constant dense<0.000000e+00> : vector<128x1xf32>
    %dot_general3A_89 = tpu.matmul %convert_element_type3A_83, %convert_element_type3A_87, %dot_general3A_88 {dimension_numbers = #tpu.dot_dimension_numbers<[0], [0], [1], [1], [0, 1, 1, 1], [], []>, transpose_lhs_hint = false} : vector<4096x128xbf16>, vector<4096x1xbf16>, vector<128x1xf32> -> vector<128x1xf32>
    %max3A_90 = arith.constant 1.000000e+00 : f32
    %max3A_91 = vector.broadcast %max3A_90 : f32 to vector<128x1xf32>
    %max3A_92 = arith.maximumf %dot_general3A_89, %max3A_91 : vector<128x1xf32>
    %div3A = vector.broadcast %max3A_92 : vector<128x1xf32> to vector<128x128xf32>
    %div3A_93 = arith.divf %dot_general3A_86, %div3A : vector<128x128xf32>
    %convert_element_type3A_94 = arith.truncf %div3A_93 : vector<128x128xf32> to vector<128x128xbf16>
    %dot_general3A_95 = arith.constant dense<0.000000e+00> : vector<4096x128xf32>
    %dot_general3A_96 = tpu.matmul %convert_element_type3A_83, %convert_element_type3A_94, %dot_general3A_95 {dimension_numbers = #tpu.dot_dimension_numbers<[1], [0], [0], [1], [0, 0, 1, 1], [], []>, transpose_lhs_hint = false} : vector<4096x128xbf16>, vector<128x128xbf16>, vector<4096x128xf32> -> vector<4096x128xf32>
    %convert_element_type3A_97 = arith.truncf %slice3A_74 : vector<4096x128xf32> to vector<4096x128xbf16>
    %broadcast_in_dim3A_98 = arith.constant 0.000000e+00 : f32
    %broadcast_in_dim3A_99 = vector.broadcast %broadcast_in_dim3A_98 : f32 to vector<4096x128xf32>
    %iota3A_100 = tpu.iota {dimensions = array<i32: 1>} : vector<4096x2048xi32>
    %add3A_101 = arith.constant 0 : i32
    %add3A_102 = vector.broadcast %add3A_101 : i32 to vector<4096x2048xi32>
    %add3A_103 = arith.addi %iota3A_100, %add3A_102 : vector<4096x2048xi32>
    %get3A_104 = arith.constant 0 : index
    %get3A_105 = arith.constant 0 : index
    %get3A_106 = vector.load %arg1[%get3A_104, %get3A_105] : memref<4096x1xi32, #tpu.memory_space<vmem>>, vector<4096x1xi32>
    %eq3A_107 = vector.broadcast %get3A_106 : vector<4096x1xi32> to vector<4096x2048xi32>
    %eq3A_108 = arith.cmpi eq, %eq3A_107, %add3A_103 : vector<4096x2048xi32>
    %convert_element_type3A_109 = arith.extui %eq3A_108 : vector<4096x2048xi1> to vector<4096x2048xi32>
    %convert_element_type3A_110 = arith.sitofp %convert_element_type3A_109 : vector<4096x2048xi32> to vector<4096x2048xf32>
    %convert_element_type3A_111 = arith.truncf %convert_element_type3A_110 : vector<4096x2048xf32> to vector<4096x2048xbf16>
    %dot_general3A_112 = arith.constant dense<0.000000e+00> : vector<2048x128xf32>
    %dot_general3A_113 = tpu.matmul %convert_element_type3A_111, %convert_element_type3A_97, %dot_general3A_112 {dimension_numbers = #tpu.dot_dimension_numbers<[0], [0], [1], [1], [0, 1, 1, 1], [], []>, transpose_lhs_hint = false} : vector<4096x2048xbf16>, vector<4096x128xbf16>, vector<2048x128xf32> -> vector<2048x128xf32>
    %convert_element_type3A_114 = arith.truncf %broadcast_in_dim3A_0 : vector<4096x1xf32> to vector<4096x1xbf16>
    %dot_general3A_115 = arith.constant dense<0.000000e+00> : vector<2048x1xf32>
    %dot_general3A_116 = tpu.matmul %convert_element_type3A_111, %convert_element_type3A_114, %dot_general3A_115 {dimension_numbers = #tpu.dot_dimension_numbers<[0], [0], [1], [1], [0, 1, 1, 1], [], []>, transpose_lhs_hint = false} : vector<4096x2048xbf16>, vector<4096x1xbf16>, vector<2048x1xf32> -> vector<2048x1xf32>
    %max3A_117 = arith.constant 1.000000e+00 : f32
    %max3A_118 = vector.broadcast %max3A_117 : f32 to vector<2048x1xf32>
    %max3A_119 = arith.maximumf %dot_general3A_116, %max3A_118 : vector<2048x1xf32>
    %div3A_120 = vector.broadcast %max3A_119 : vector<2048x1xf32> to vector<2048x128xf32>
    %div3A_121 = arith.divf %dot_general3A_113, %div3A_120 : vector<2048x128xf32>
    %convert_element_type3A_122 = arith.truncf %div3A_121 : vector<2048x128xf32> to vector<2048x128xbf16>
    %dot_general3A_123 = arith.constant dense<0.000000e+00> : vector<4096x128xf32>
    %dot_general3A_124 = tpu.matmul %convert_element_type3A_111, %convert_element_type3A_122, %dot_general3A_123 {dimension_numbers = #tpu.dot_dimension_numbers<[1], [0], [0], [1], [0, 0, 1, 1], [], []>, transpose_lhs_hint = false} : vector<4096x2048xbf16>, vector<2048x128xbf16>, vector<4096x128xf32> -> vector<4096x128xf32>
    %add3A_125 = arith.addf %broadcast_in_dim3A_99, %dot_general3A_124 : vector<4096x128xf32>
    %add3A_126 = arith.addf %slice3A_73, %add3A_125 : vector<4096x128xf32>
    %add3A_127 = arith.addf %add3A_126, %dot_general3A_96 : vector<4096x128xf32>
    %get3A_128 = arith.constant 0 : index
    %get3A_129 = arith.constant 0 : index
    %get3A_130 = vector.load %arg13[%get3A_128, %get3A_129] : memref<1x128xf32, #tpu.memory_space<vmem>>, vector<1x128xf32>
    %add3A_131 = vector.broadcast %get3A_130 : vector<1x128xf32> to vector<4096x128xf32>
    %add3A_132 = arith.addf %add3A_127, %add3A_131 : vector<4096x128xf32>
    %max3A_133 = arith.constant 0.000000e+00 : f32
    %max3A_134 = vector.broadcast %max3A_133 : f32 to vector<4096x128xf32>
    %max3A_135 = arith.maximumf %add3A_132, %max3A_134 : vector<4096x128xf32>
    %convert_element_type3A_136 = arith.truncf %max3A_135 : vector<4096x128xf32> to vector<4096x128xbf16>
    %get3A_137 = arith.constant 0 : index
    %get3A_138 = arith.constant 0 : index
    %get3A_139 = vector.load %arg14[%get3A_137, %get3A_138] : memref<128x128xf32, #tpu.memory_space<vmem>>, vector<128x128xf32>
    %convert_element_type3A_140 = arith.truncf %get3A_139 : vector<128x128xf32> to vector<128x128xbf16>
    %dot_general3A_141 = arith.constant dense<0.000000e+00> : vector<4096x128xf32>
    %dot_general3A_142 = tpu.matmul %convert_element_type3A_136, %convert_element_type3A_140, %dot_general3A_141 {dimension_numbers = #tpu.dot_dimension_numbers<[1], [0], [0], [1], [0, 0, 1, 1], [], []>, transpose_lhs_hint = false} : vector<4096x128xbf16>, vector<128x128xbf16>, vector<4096x128xf32> -> vector<4096x128xf32>
    %get3A_143 = arith.constant 0 : index
    %get3A_144 = arith.constant 0 : index
    %get3A_145 = vector.load %arg15[%get3A_143, %get3A_144] : memref<1x128xf32, #tpu.memory_space<vmem>>, vector<1x128xf32>
    %add3A_146 = vector.broadcast %get3A_145 : vector<1x128xf32> to vector<4096x128xf32>
    %add3A_147 = arith.addf %dot_general3A_142, %add3A_146 : vector<4096x128xf32>
    %swap3A = arith.constant 0 : index
    %swap3A_148 = arith.constant 0 : index
    %swap3A_149 = vector.load %arg16[%swap3A, %swap3A_148] : memref<4096x128xf32, #tpu.memory_space<vmem>>, vector<4096x128xf32>
    tpu.vector_store %arg16[%swap3A, %swap3A_148], %add3A_147 {strides = array<i32>} : memref<4096x128xf32, #tpu.memory_space<vmem>>, vector<4096x128xf32>,
    return
  }
}

</mosaic_0001>

<sc_bundles>
// kernel: gather_offload_async_start
scs
__scs_entry_jumppad:
0x0: {  	(pc) =	sbr.rel $0x88, $3  }
0x1: {  	(tag) =	ssettag $0x0;
	lr =	simm.s32 $0x1  }
0x2: {  	[smem:$0x3F90] =	sst lr;
	_ =	strace $0xD0000000  }
0x3: {  	_ = 	snop  }
0x4: {  	_ = 	snop  }
0x5: {  	_ = 	snop  }
0x6: {  	_ = 	snop  }
0x7: {  	_ = 	snop  }
__scs_overlays_trampoline_lowered:
0x8: {  	[smem:$0x3F9F] =	sst s0  }
0x9: {  	[smem:$0x3FA0] =	sst s1  }
0xa: {  	[smem:$0x3FA1] =	sst s2  }
0xb: {  	[smem:$0x3FA2] =	sst s3  }
0xc: {  	[smem:$0x3FA3] =	sst s4  }
0xd: {  	[smem:$0x3FA4] =	sst s5  }
0xe: {  	[smem:$0x3FA5] =	sst s6  }
0xf: {  	[smem:$0x3FA6] =	sst s7  }
0x10: {  	[smem:$0x3FA7] =	sst s8  }
0x11: {  	[smem:$0x3FA8] =	sst s9;
	s0 =	simm.s32 @!p0 $0x0  }
0x12: {  	s1 =	sld [smem:$0x3F8E];
	s0 =	simm.s32 @p0 $0x1  }
0x13: {  	[smem:$0x3FA9] =	sst s0;
	s0 =	simm.s32 @!p1 $0x0  }
0x14: {  	s2 =	sld [smem:$0x3F8D];
	s0 =	simm.s32 @p1 $0x1  }
0x15: {  	[smem:$0x3FAA] =	sst s0;
	s0 =	simm.s32 @!p2 $0x0  }
0x16: {  	s3 =	sld [smem:$0x3FDB];
	s0 =	simm.s32 @p2 $0x1  }
0x17: {  	s4 =	simm.s32 $0x1BF5;
	[smem:$0x3FAC] =	sst s0  }
0x18: {  	s0 =	sld [smem:$0x3F8F];
	_ =	swait.ge [sflag:s4], $0x0  }
0x19: {  	s7 =	sld [smem:$0x3F90]  }
0x1a: {  	s8 =	sadd.s32 $0xFFFFE003, lr  }
0x1b: {  	s9 =	sadd.s32 $0xFFFFFEF7, lr;
	s5 =	simm.s32 $0xFFFFFFFF;
	p2 =	slt.u32 s8, $0xFFFFF086  }
0x1c: {  	p1 =	slt.u32 s9, $0xF7A;
	s5 =	simm.s32 @!p2 $0x0  }
0x1d: {  	s5 =	simm.s32 @p1 $0x1;
	p0 =	seq.s32 s7, s2  }
0x1e: {  	s7 =	smul.u32 @!p0 $0xF7A, s2;
	p2 =	seq.s32 @!p0 s5, $0x0  }
0x1f: {  	s9 =	smul.u32 $0xF7A, s1;
	s8 =	simm.s32 @!p0 $0x1BF5;
	p2 =	por !p2, p0  }
0x20: {  	[sflag:s8] =	ssyncset.s32 @!p0 $0xFFFFF086;
	s6 =	sadd.s32 @!p0 s3, s7;
	s7 =	simm.s32 @!p0 $0x108  }
0x21: {  	s3 =	sadd.s32 s3, s9;
	s6 =	sadd.s32 @!p0 $0x88, s6;
	s7 =	simm.s32 @p2 $0x1082  }
0x22: {  	[simem:s7], [sflag:s8] =	dma.local @!p0 [hbm:s6], $0xF7A  }
0x23: {  	s9 =	sor.u32 $0xD0000000, s2;
	s6 =	simm.s32 $0x108;
	_ =	swait.ge @!p0 [sflag:s8], $0x0  }
0x24: {  	s3 =	sadd.s32 $0x88, s3;
	s6 =	simm.s32 @!p1 $0x1082;
	[sflag:s4] =	ssyncset.s32 $0xFFFFF086  }
0x25: {  	[simem:s6], [sflag:s4] =	dma.local [hbm:s3], $0xF7A  }
0x26: {  	[smem:$0x3F90] =	sst s1;
	(tag) =	ssettag s2;
	_ =	strace s9  }
0x27: {  	s1 =	sld [smem:$0x3FA0]  }
0x28: {  	s2 =	sld [smem:$0x3FA1]  }
0x29: {  	s4 =	sld [smem:$0x3FA3]  }
0x2a: {  	p0 =	seq.s32 s5, $0x0;
	s5 =	sld [smem:$0x3FA4]  }
0x2b: {  	s6 =	sld [smem:$0x3FA5]  }
0x2c: {  	s7 =	sld [smem:$0x3FA6]  }
0x2d: {  	s3 =	simm.s32 $0x108;
	s8 =	sld [smem:$0x3FA7]  }
0x2e: {  	s3 =	simm.s32 @!p0 $0x1082;
	s9 =	sld [smem:$0x3FA8]  }
0x2f: {  	lr =	sadd.s32 s0, s3;
	s0 =	sld [smem:$0x3F9F]  }
0x30: {  	s3 =	sld [smem:$0x3FA2]  }
0x31: {  	[smem:$0x3FAB] =	sst s10  }
0x32: {  	s10 =	sld [smem:$0x3FA9];
	_ =	sdelay $0x3  }
0x33: {  	p0 =	seq.s32 s10, $0x1;
	s10 =	sld [smem:$0x3FAB];
	_ =	sdelay $0x3  }
0x34: {  	[smem:$0x3FAB] =	sst s10  }
0x35: {  	s10 =	sld [smem:$0x3FAA];
	_ =	sdelay $0x3  }
0x36: {  	p1 =	seq.s32 s10, $0x1;
	s10 =	sld [smem:$0x3FAB];
	_ =	sdelay $0x3  }
0x37: {  	[smem:$0x3FAB] =	sst s10  }
0x38: {  	s10 =	sld [smem:$0x3FAC]  }
0x39: {  	_ = 	snop;
	(pc) =	sbr.ind lr, $3  }
0x3a: {  	_ = 	snop  }
0x3b: {  	_ = 	snop  }
0x3c: {  	p2 =	seq.s32 s10, $0x1;
	s10 =	sld [smem:$0x3FAB]  }
0x3d: {  	_ =	shalt  }
0x3e: {  	_ =	shalt  }
0x3f: {  	_ =	shalt  }
0x40: {  	_ =	shalt  }
0x41: {  	_ =	shalt  }
0x42: {  	_ =	shalt  }
0x43: {  	_ =	shalt  }
0x44: {  	_ =	shalt  }
0x45: {  	_ =	shalt  }
0x46: {  	_ =	shalt  }
0x47: {  	_ =	shalt  }
0x48: {  	_ =	shalt  }
0x49: {  	_ =	shalt  }
0x4a: {  	_ =	shalt  }
0x4b: {  	_ =	shalt  }
0x4c: {  	_ =	shalt  }
0x4d: {  	_ =	shalt  }
0x4e: {  	_ =	shalt  }
0x4f: {  	_ =	shalt  }
0x50: {  	_ =	shalt  }
0x51: {  	_ =	shalt  }
0x52: {  	_ =	shalt  }
0x53: {  	_ =	shalt  }
0x54: {  	_ =	shalt  }
0x55: {  	_ =	shalt  }
0x56: {  	_ =	shalt  }
0x57: {  	_ =	shalt  }
0x58: {  	_ =	shalt  }
0x59: {  	_ =	shalt  }
0x5a: {  	_ =	shalt  }
0x5b: {  	_ =	shalt  }
0x5c: {  	_ =	shalt  }
0x5d: {  	_ =	shalt  }
0x5e: {  	_ =	shalt  }
0x5f: {  	_ =	shalt  }
0x60: {  	_ =	shalt  }
0x61: {  	_ =	shalt  }
0x62: {  	_ =	shalt  }
0x63: {  	_ =	shalt  }
0x64: {  	_ =	shalt  }
0x65: {  	_ =	shalt  }
0x66: {  	_ =	shalt  }
0x67: {  	_ =	shalt  }
0x68: {  	_ =	shalt  }
0x69: {  	_ =	shalt  }
0x6a: {  	_ =	shalt  }
0x6b: {  	_ =	shalt  }
0x6c: {  	_ =	shalt  }
0x6d: {  	_ =	shalt  }
0x6e: {  	_ =	shalt  }
0x6f: {  	_ =	shalt  }
0x70: {  	_ =	shalt  }
0x71: {  	_ =	shalt  }
0x72: {  	_ =	shalt  }
0x73: {  	_ =	shalt  }
0x74: {  	_ =	shalt  }
0x75: {  	_ =	shalt  }
0x76: {  	_ =	shalt  }
0x77: {  	_ =	shalt  }
0x78: {  	_ =	shalt  }
0x79: {  	_ =	shalt  }
0x7a: {  	_ =	shalt  }
0x7b: {  	_ =	shalt  }
0x7c: {  	_ =	shalt  }
0x7d: {  	_ =	shalt  }
0x7e: {  	_ =	shalt  }
0x7f: {  	_ =	shalt  }
0x80: {  	_ =	shalt  }
0x81: {  	_ =	shalt  }
0x82: {  	_ =	shalt  }
0x83: {  	_ =	shalt  }
0x84: {  	_ =	shalt  }
0x85: {  	_ =	shalt  }
0x86: {  	_ =	shalt  }
0x87: {  	_ =	shalt  }
.Lfunc_end0:
.L_simem_size_0:
called_computation_lowered:
.L_overlay_start_0:
0x88: {  	s2 =	sld [smem:$0x3FD9]  }
0x89: {  	s3 =	sld [smem:$0x3FFE];
	_ =	sdelay $0x1  }
0x8a: {  	s1 =	srdreg.scid  }
0x8b: {  	s0 =	sand.u32 $0x1, s1  }
0x8c: {  	s17 =	sshll.u32 s0, $0xA;
	s2 =	sadd.s32 s3, s2  }
0x8d: {  	s2 =	sadd.s32 s2, s17  }
0x8e: {  	[smem:$0x3FB7] =	sst s2  }
0x8f: {  	_ = 	snop  }
0x90: {  	s2 =	sld [smem:$0x3FD0];
	(tm) =	ssettm $0x1  }
0x91: {  	s18 =	sld [smem:$0x3FFB];
	_ =	sdelay $0x3  }
0x92: {  	_ =	strace s18  }
0x93: {  	s3 =	sld [smem:$0x3FFC];
	_ =	sdelay $0x3  }
0x94: {  	_ =	strace s3  }
0x95: {  	s3 =	sld [smem:$0x3FFD];
	_ =	sdelay $0x3  }
0x96: {  	_ =	strace s3  }
0x97: {  	_ =	strace $0x8FFFFFFF  }
0x98: {  	s19 =	sld [smem:$0x3FDB];
	_ =	sdelay $0x1  }
0x99: {  	s4 =	simm.s32 $_scs_section_size  }
0x9a: {  	s5 =	simm.s32 $_size__tile_overlayer_lowered;
	s6 =	simm.s32 $_tile_overlayer_lowered  }
0x9b: {  	s22 =	simm.s32 $0x1BFF;
	s21 =	sshll.u32 s6, $0x1;
	s3 =	sadd.s32 s4, s19  }
0x9c: {  	s7 =	simm.s32 $0x0;
	s20 =	sshll.u32 s5, $0x1;
	s5 =	sadd.s32 s21, s3  }
0x9d: {  	[timem:s7], [sflag:s22] =	dma.local [hbm:s5], s20  }
0x9e: {  	_ =	swait.ge [sflag:s22], s20  }
0x9f: {  	s4 =	ssub.s32 $0x0, s20;
	[sflag:s22] =	ssyncset.done $0x0  }
0xa0: {  	[sflag:s22] =	ssyncadd.s32 s4;
	_ =	sdelay $0x1  }
0xa1: {  	s23 =	simm.s32 $0x1B8B  }
0xa2: {  	_ =	swait.ge [sflag:s23], $0x1  }
0xa3: {  	[sflag:s23] =	ssyncset.done $0x0  }
0xa4: {  	s25 =	simm.s32 $0x1B8E;
	s24 =	sld [smem:$0x3FFE];
	[sflag:s23] =	ssyncadd.s32 $0xFFFFFFFF  }
0xa5: {  	s26 =	simm.s32 $execute0_lowered;
	[smem:$0x3FD2] =	sst s25  }
0xa6: {  	s5 =	sshll.u32 s26, $0x1;
	_ =	strace $0x80000046;
	[dreg:$0x1] =	wrdreg $0xFFFFFFFF  }
0xa7: {  	s28 =	simm.s32 $_size_execute0_lowered;
	s3 =	sadd.s32 s3, s5;
	[dreg:$0x0] =	wrdreg $0x0  }
0xa8: {  	s5 =	sshll.u32 s28, $0x1;
	[dreg:$0x2] =	wrdreg s3  }
0xa9: {  	[dreg:$0x3] =	wrdreg s5  }
0xaa: {  	[dreg:$0x4] =	wrdreg $0xC0  }
0xab: {  	_ =	task [dreg:s7], $0x5FFFF  }
0xac: {  	[dreg:$0x1] =	wrdreg $0xFFFFFFFF  }
0xad: {  	[dreg:$0x0] =	wrdreg $0x60  }
0xae: {  	[dreg:$0x2] =	wrdreg s24  }
0xaf: {  	[dreg:$0x3] =	wrdreg s2  }
0xb0: {  	[dreg:$0x4] =	wrdreg $0x9  }
0xb1: {  	_ =	task.clear_ibuf [dreg:s7], $0x5FFFF;
	_ =	strace $0x90000046  }
0xb2: {  	s29 =	simm.s32 $0x9;
	_ =	strace $0x80000048  }
0xb3: {  	_ =	swait.ge [sflag:s29], $0x1  }
0xb4: {  	[sflag:s29] =	ssyncadd.s32 $0xFFFFFFFF  }
0xb5: {  	_ =	strace $0x90000048  }
0xb6: {  	_ =	sfence  }
0xb7: {  	s30 =	sld [smem:$0x0];
	_ =	sdelay $0x2  }
0xb8: {  	s31 =	sshll.u32 s1, $0xD;
	s1 =	sshrl.u32 s1, $0x2  }
0xb9: {  	s3 =	sand.u32 $0x4000, s31;
	s1 =	sadd.s32 s1, s30  }
0xba: {  	s0 =	sor.u32 s3, s0;
	s1 =	sshll.u32 s1, $0x11  }
0xbb: {  	s0 =	sor.u32 s1, s0  }
0xbc: {  	s0 =	sadd.s32 $0x8F2B, s0  }
0xbd: {  	[sflag:s0] =	ssyncadd.remote.s32 $0x1  }
0xbe: {  	_ =	sfence.sel $0xFFFF  }
0xbf: {  	[dreg:$0x0] =	wrdreg $0xFFFFFFFF;
	(pc) =	sbr.abs _section_cstart, $3  }
0xc0: {  	[dreg:$0x1] =	wrdreg $0xFFFFFFFF  }
0xc1: {  	_ =	task.clear_ibuf [dreg:s7], $0x2FFFF;
	_ =	strace $0x9FFFFFFF  }
0xc2: {  	(tm) =	ssettm $0x7FFFFFFF  }
0xc3: {  	_ =	shalt  }
tec
execute0_lowered:
.L_overlay_start_1:
0x0: {  	(tag) =	ssettag $0x1  }
0x1: {  	s7 =	rddreg [dreg:$0x0]  }
0x2: {  	s2 =	rddreg [dreg:$0x1]  }
0x3: {  	s0 =	rddreg [dreg:$0x2]  }
0x4: {  	s1 =	srdreg.scid;
	_ =	strace $0x80000047;
	s4 =	simm.s32 $0x1  }
0x5: {  	s9 =	simm.s32 $0x3;
	s12 =	simm.s32 $0x0;
	s5 =	sshll.u32 s1, $0x4  }
.Ltmp0:
0x6: {  	s1 =	stileid.u32;
	s5 =	sand.u32 $0x10, s5;
	(pc) =	sbr.rel .LBB2_1-.Ltmp0, $4  }
0x7: {  	s10 =	simm.s32 $0x0;
	s3 =	sadd.s32 $0x2E00, s7;
	s6 =	sor.u32 s1, s5  }
0x8: {  	[sflag:s4] =	ssyncpa.u1 $0x0;
	s5 =	simm.s32 $0x2;
	s6 =	sshll.u32 s6, $0x7  }
0x9: {  	s7 =	sadd.s32 $0x189800, s7;
	[sflag:s5] =	ssyncpa.u1 $0x0;
	s8 =	sadd.s32 $0x80, s6  }
0xa: {  	vm0 =	vmmov $0xff;
	vm1 =	vcmask $0x3F20;
	[sflag:s9] =	ssyncpa.u1 $0x0;
	s9 =	simm.s32 $0x80;
	s11 =	smov.u32 s6  }
.LBB2_9:
0xb: {  	p0 =	seq.s32 s10, $0x2  }
.Ltmp1:
0xc: {  	_ = 	snop;
	(pc) =	sbr.rel @p0 .LBB2_11-.Ltmp1, $1  }
0xd: {  	_ =	sdelay $0x3  }
.LBB2_10:
0xe: {  	s12 =	sadd.s32 $0x80, s11  }
0xf: {  	s13 =	smov.u32 s6;
	p0 =	slt.s32 s12, s8  }
0x10: {  	s13 =	smov.u32 @p0 s12  }
0x11: {  	s10 =	sadd.s32 $0x1, s10;
	s12 =	smov.u32 s11;
	s11 =	smov.u32 s13  }
.LBB2_1:
0x12: {  	p0 =	sne.s32 s10, $0x0  }
.Ltmp2:
0x13: {  	_ = 	snop;
	(pc) =	sbr.rel @!p0 .LBB2_2-.Ltmp2, $1  }
0x14: {  	_ =	sdelay $0x3  }
0x15: {  	s13 =	sand.u32 $0x1, s10  }
0x16: {  	p0 =	seq.s32 s13, $0x0  }
.Ltmp3:
0x17: {  	_ = 	snop;
	(pc) =	sbr.rel @p0 .LBB2_9-.Ltmp3, $1  }
0x18: {  	_ =	sdelay $0x3  }
0x19: {  	_ =	swait.ge [sflag:s5], $0x80  }
0x1a: {  	[sflag:s5] =	ssyncset.done $0x0  }
0x1b: {  	s13 =	simm.s32 $0x0;
	[sflag:s5] =	ssyncadd.s32 $0xFFFFFF80  }
0x1c: {  	v0 =	vld.msk [tilespmem:s13+$0x80 ss:$0x1], $0xffff;
	_ =	sdelay $0x4  }
0x1d: {  	vm2 =	vgt.s32 v0, $0x0  }
0x1e: {  	v0 =	vnsel vm2, $0x0, v0  }
0x1f: {  	v0 =	vmin.u32 v0, $0x1869F  }
0x20: {  	v0 =	vshll.u32 v0, $0x4;
	_ =	sdelay $0x3  }
0x21: {  	s13 =	simm.s32 $0x4100  }
0x22: {  	[tilespmem:s13], [sflag:$0x1] =	stream.indirect_vreg.gather [hbm:s3], $0x80, v0, vm0, $0x38;
	[tilespmem:$0x8100] =	vst v63  }
0x23: {  	s14 =	simm.s32 $0x4500;
	s31 =	simm.s32 $0x10  }
0x24: {  	[tilespmem:s14], [sflag:$0x1] =	stream.indirect_vreg.gather [hbm:s3], $0x80, v0, vm1, $0x38;
	[tilespmem:$0x8100] =	vst v63  }
0x25: {  	s14 =	simm.s32 $0x80;
	v0 =	vld.msk [tilespmem:s31+$0x80 ss:$0x1], $0xffff  }
.LBB2_5:
0x26: {  	p0 =	sne.s32 s14, $0x1C0;
	_ =	sdelay $0x4  }
0x27: {  	vm2 =	vgt.s32 v0, $0x0  }
0x28: {  	v0 =	vnsel vm2, $0x0, v0  }
0x29: {  	v0 =	vmin.u32 v0, $0x1869F  }
0x2a: {  	v0 =	vshll.u32 v0, $0x4;
	_ =	sdelay $0x3  }
.Ltmp4:
0x2b: {  	s13 =	sadd.s32 $0x800, s13;
	(pc) =	sbr.rel @p0 .LBB2_5-.Ltmp4, $4  }
0x2c: {  	[tilespmem:s13], [sflag:$0x1] =	stream.indirect_vreg.gather [hbm:s3], $0x80, v0, vm0, $0x38;
	[tilespmem:$0x8100] =	vst v63  }
0x2d: {  	s15 =	sshra.s32 s14, $0x2;
	s16 =	sadd.s32 $0x400, s13  }
0x2e: {  	[tilespmem:s16], [sflag:$0x1] =	stream.indirect_vreg.gather [hbm:s3], $0x80, v0, vm1, $0x38;
	[tilespmem:$0x8100] =	vst v63  }
0x2f: {  	s14 =	sadd.s32 $0x40, s14;
	v0 =	vld.msk [tilespmem:s15+$0x80 ss:$0x1], $0xffff  }
0x30: {  	_ =	sdelay $0x3  }
0x31: {  	vm2 =	vgt.s32 v0, $0x0  }
0x32: {  	v0 =	vnsel vm2, $0x0, v0  }
0x33: {  	v0 =	vmin.u32 v0, $0x1869F  }
0x34: {  	v0 =	vshll.u32 v0, $0x4;
	_ =	sdelay $0x3  }
0x35: {  	s13 =	sadd.s32 $0x800, s13  }
0x36: {  	[tilespmem:s13], [sflag:$0x1] =	stream.indirect_vreg.gather [hbm:s3], $0x80, v0, vm0, $0x38;
	[tilespmem:$0x8100] =	vst v63  }
0x37: {  	s13 =	sadd.s32 $0x400, s13  }
0x38: {  	[tilespmem:s13], [sflag:$0x1] =	stream.indirect_vreg.gather [hbm:s3], $0x80, v0, vm1, $0x38;
	[tilespmem:$0x8100] =	vst v63  }
0x39: {  	s12 =	sshll.u32 s12, $0x4;
	s14 =	simm.s32 $0x80;
	_ =	swait.ge [sflag:s4], $0x4000  }
0x3a: {  	s15 =	simm.s32 $0x4500;
	s12 =	sadd.s32 s12, s2;
	[sflag:s4] =	ssyncset.done $0x0  }
0x3b: {  	s16 =	sadd.s32 $0x0, s12;
	s13 =	simm.s32 $0x4100;
	[sflag:s4] =	ssyncadd.s32 $0xFFFFC000  }
.LBB2_7:
0x3c: {  	[hbm:s16] =	stream.linear.scatter [tilespmem:s13], [sflag:$0x3], $0x400, $0x38;
	[tilespmem:$0x8100] =	vst v63  }
0x3d: {  	s16 =	smov.u32 s14;
	s13 =	smov.u32 s15;
	p0 =	sne.s32 s14, $0x780  }
.Ltmp5:
0x3e: {  	s14 =	sadd.s32 $0x80, s14;
	(pc) =	sbr.rel @p0 .LBB2_7-.Ltmp5, $2  }
0x3f: {  	_ =	sdelay $0x2  }
0x40: {  	s15 =	sadd.s32 $0x400, s15;
	s16 =	sadd.s32 s16, s12  }
.Ltmp6:
0x41: {  	(pc) =	sbr.rel .LBB2_9-.Ltmp6, $2  }
0x42: {  	_ =	sdelay $0x2  }
0x43: {  	[hbm:s16] =	stream.linear.scatter [tilespmem:s13], [sflag:$0x3], $0x400, $0x38;
	[tilespmem:$0x8100] =	vst v63  }
.LBB2_2:
.Ltmp7:
0x44: {  	(pc) =	sbr.rel .LBB2_10-.Ltmp7, $4  }
0x45: {  	_ = 	snop  }
0x46: {  	s12 =	sshrl.u32 s11, $0x3  }
0x47: {  	s13 =	sand.u32 $0x7, s11;
	s12 =	sadd.s32 s7, s12  }
0x48: {  	[tilespmem:s9], [sflag:$0x2] =	stream.linear.gather [hbm4b:s12+s13], $0x80, $0x38;
	[tilespmem:$0x8100] =	vst v63  }
.LBB2_11:
0x49: {  	s2 =	simm.s32 $0x3  }
0x4a: {  	_ =	swait.ge [sflag:s2], $0x4000  }
0x4b: {  	[sflag:s2] =	ssyncset.done $0x0  }
0x4c: {  	[sflag:s2] =	ssyncadd.s32 $0xFFFFC000  }
0x4d: {  	_ =	sfence.sel $0x180000  }
0x4e: {  	s3 =	simm.s32 $0x2;
	[bflag:$0x0] =	sbarrier.arrive $0xFFFF  }
0x4f: {  	[sflag:s3] =	ssyncpa.u1 $0x1  }
0x50: {  	s31 =	simm.s32 $0x1;
	[sflag:s2] =	ssyncpa.u1 $0x1  }
0x51: {  	[sflag:s31] =	ssyncpa.u1 $0x1  }
0x52: {  	p0 =	sne.s32 s1, $0x0;
	_ =	strace $0x90000047  }
0x53: {  	s0 =	sadd.s32 @!p0 $0x100000, s0;
	[bflag:$0x2] =	sbarrier.arrive $0xFFFF  }
0x54: {  	[sflag:s0] =	ssyncadd.tile.s32 @!p0 $0x1;
	_ =	shalt  }
.Lfunc_end2:
_tile_overlayer_lowered:
.L_overlay_start_2:
0x55: {  	(tag) =	ssettag $0x2  }
0x56: {  	s0 =	rddreg [dreg:$0x0];
	s2 =	stileid.u32  }
0x57: {  	s1 =	rddreg [dreg:$0x1];
	p0 =	sne.s32 s2, $0x0  }
0x58: {  	s3 =	rddreg [dreg:$0x2];
	[bflag:$0x3] =	sbarrier.arrive $0xFFFF;
	s2 =	simm.s32 @!p0 $0x1C01  }
0x59: {  	[timem:s3], [sflag:s2] =	dma.local @!p0 [hbm:s0], s1  }
0x5a: {  	s0 =	simm.s32 @!p0 $0x1  }
0x5b: {  	_ =	swait.ge @!p0 [sflag:s0], s1  }
0x5c: {  	s1 =	ssub.s32 @!p0 $0x0, s1;
	[sflag:s0] =	ssyncset.done @!p0 $0x0  }
0x5d: {  	[sflag:s0] =	ssyncadd.s32 @!p0 s1  }
0x5e: {  	[bflag:$0x3] =	sbarrier.arrive $0xFFFF  }
0x5f: {  	_ =	shalt  }

// kernel: kernel.4.cloned.1.call-start
scs
__scs_entry_jumppad:
0x0: {  	(pc) =	sbr.rel $0x88, $3  }
0x1: {  	(tag) =	ssettag $0x0;
	lr =	simm.s32 $0x1  }
0x2: {  	[smem:$0x3F90] =	sst lr;
	_ =	strace $0xD0000000  }
0x3: {  	_ = 	snop  }
0x4: {  	_ = 	snop  }
0x5: {  	_ = 	snop  }
0x6: {  	_ = 	snop  }
0x7: {  	_ = 	snop  }
__scs_overlays_trampoline_lowered:
0x8: {  	[smem:$0x3F9F] =	sst s0  }
0x9: {  	[smem:$0x3FA0] =	sst s1  }
0xa: {  	[smem:$0x3FA1] =	sst s2  }
0xb: {  	[smem:$0x3FA2] =	sst s3  }
0xc: {  	[smem:$0x3FA3] =	sst s4  }
0xd: {  	[smem:$0x3FA4] =	sst s5  }
0xe: {  	[smem:$0x3FA5] =	sst s6  }
0xf: {  	[smem:$0x3FA6] =	sst s7  }
0x10: {  	[smem:$0x3FA7] =	sst s8  }
0x11: {  	[smem:$0x3FA8] =	sst s9;
	s0 =	simm.s32 @!p0 $0x0  }
0x12: {  	s1 =	sld [smem:$0x3F8E];
	s0 =	simm.s32 @p0 $0x1  }
0x13: {  	[smem:$0x3FA9] =	sst s0;
	s0 =	simm.s32 @!p1 $0x0  }
0x14: {  	s2 =	sld [smem:$0x3F8D];
	s0 =	simm.s32 @p1 $0x1  }
0x15: {  	[smem:$0x3FAA] =	sst s0;
	s0 =	simm.s32 @!p2 $0x0  }
0x16: {  	s3 =	sld [smem:$0x3FDB];
	s0 =	simm.s32 @p2 $0x1  }
0x17: {  	s4 =	simm.s32 $0x1BF5;
	[smem:$0x3FAC] =	sst s0  }
0x18: {  	s0 =	sld [smem:$0x3F8F];
	_ =	swait.ge [sflag:s4], $0x0  }
0x19: {  	s7 =	sld [smem:$0x3F90]  }
0x1a: {  	s8 =	sadd.s32 $0xFFFFE003, lr  }
0x1b: {  	s9 =	sadd.s32 $0xFFFFFEF7, lr;
	s5 =	simm.s32 $0xFFFFFFFF;
	p2 =	slt.u32 s8, $0xFFFFF086  }
0x1c: {  	p1 =	slt.u32 s9, $0xF7A;
	s5 =	simm.s32 @!p2 $0x0  }
0x1d: {  	s5 =	simm.s32 @p1 $0x1;
	p0 =	seq.s32 s7, s2  }
0x1e: {  	s7 =	smul.u32 @!p0 $0xF7A, s2;
	p2 =	seq.s32 @!p0 s5, $0x0  }
0x1f: {  	s9 =	smul.u32 $0xF7A, s1;
	s8 =	simm.s32 @!p0 $0x1BF5;
	p2 =	por !p2, p0  }
0x20: {  	[sflag:s8] =	ssyncset.s32 @!p0 $0xFFFFF086;
	s6 =	sadd.s32 @!p0 s3, s7;
	s7 =	simm.s32 @!p0 $0x108  }
0x21: {  	s3 =	sadd.s32 s3, s9;
	s6 =	sadd.s32 @!p0 $0x88, s6;
	s7 =	simm.s32 @p2 $0x1082  }
0x22: {  	[simem:s7], [sflag:s8] =	dma.local @!p0 [hbm:s6], $0xF7A  }
0x23: {  	s9 =	sor.u32 $0xD0000000, s2;
	s6 =	simm.s32 $0x108;
	_ =	swait.ge @!p0 [sflag:s8], $0x0  }
0x24: {  	s3 =	sadd.s32 $0x88, s3;
	s6 =	simm.s32 @!p1 $0x1082;
	[sflag:s4] =	ssyncset.s32 $0xFFFFF086  }
0x25: {  	[simem:s6], [sflag:s4] =	dma.local [hbm:s3], $0xF7A  }
0x26: {  	[smem:$0x3F90] =	sst s1;
	(tag) =	ssettag s2;
	_ =	strace s9  }
0x27: {  	s1 =	sld [smem:$0x3FA0]  }
0x28: {  	s2 =	sld [smem:$0x3FA1]  }
0x29: {  	s4 =	sld [smem:$0x3FA3]  }
0x2a: {  	p0 =	seq.s32 s5, $0x0;
	s5 =	sld [smem:$0x3FA4]  }
0x2b: {  	s6 =	sld [smem:$0x3FA5]  }
0x2c: {  	s7 =	sld [smem:$0x3FA6]  }
0x2d: {  	s3 =	simm.s32 $0x108;
	s8 =	sld [smem:$0x3FA7]  }
0x2e: {  	s3 =	simm.s32 @!p0 $0x1082;
	s9 =	sld [smem:$0x3FA8]  }
0x2f: {  	lr =	sadd.s32 s0, s3;
	s0 =	sld [smem:$0x3F9F]  }
0x30: {  	s3 =	sld [smem:$0x3FA2]  }
0x31: {  	[smem:$0x3FAB] =	sst s10  }
0x32: {  	s10 =	sld [smem:$0x3FA9];
	_ =	sdelay $0x3  }
0x33: {  	p0 =	seq.s32 s10, $0x1;
	s10 =	sld [smem:$0x3FAB];
	_ =	sdelay $0x3  }
0x34: {  	[smem:$0x3FAB] =	sst s10  }
0x35: {  	s10 =	sld [smem:$0x3FAA];
	_ =	sdelay $0x3  }
0x36: {  	p1 =	seq.s32 s10, $0x1;
	s10 =	sld [smem:$0x3FAB];
	_ =	sdelay $0x3  }
0x37: {  	[smem:$0x3FAB] =	sst s10  }
0x38: {  	s10 =	sld [smem:$0x3FAC]  }
0x39: {  	_ = 	snop;
	(pc) =	sbr.ind lr, $3  }
0x3a: {  	_ = 	snop  }
0x3b: {  	_ = 	snop  }
0x3c: {  	p2 =	seq.s32 s10, $0x1;
	s10 =	sld [smem:$0x3FAB]  }
0x3d: {  	_ =	shalt  }
0x3e: {  	_ =	shalt  }
0x3f: {  	_ =	shalt  }
0x40: {  	_ =	shalt  }
0x41: {  	_ =	shalt  }
0x42: {  	_ =	shalt  }
0x43: {  	_ =	shalt  }
0x44: {  	_ =	shalt  }
0x45: {  	_ =	shalt  }
0x46: {  	_ =	shalt  }
0x47: {  	_ =	shalt  }
0x48: {  	_ =	shalt  }
0x49: {  	_ =	shalt  }
0x4a: {  	_ =	shalt  }
0x4b: {  	_ =	shalt  }
0x4c: {  	_ =	shalt  }
0x4d: {  	_ =	shalt  }
0x4e: {  	_ =	shalt  }
0x4f: {  	_ =	shalt  }
0x50: {  	_ =	shalt  }
0x51: {  	_ =	shalt  }
0x52: {  	_ =	shalt  }
0x53: {  	_ =	shalt  }
0x54: {  	_ =	shalt  }
0x55: {  	_ =	shalt  }
0x56: {  	_ =	shalt  }
0x57: {  	_ =	shalt  }
0x58: {  	_ =	shalt  }
0x59: {  	_ =	shalt  }
0x5a: {  	_ =	shalt  }
0x5b: {  	_ =	shalt  }
0x5c: {  	_ =	shalt  }
0x5d: {  	_ =	shalt  }
0x5e: {  	_ =	shalt  }
0x5f: {  	_ =	shalt  }
0x60: {  	_ =	shalt  }
0x61: {  	_ =	shalt  }
0x62: {  	_ =	shalt  }
0x63: {  	_ =	shalt  }
0x64: {  	_ =	shalt  }
0x65: {  	_ =	shalt  }
0x66: {  	_ =	shalt  }
0x67: {  	_ =	shalt  }
0x68: {  	_ =	shalt  }
0x69: {  	_ =	shalt  }
0x6a: {  	_ =	shalt  }
0x6b: {  	_ =	shalt  }
0x6c: {  	_ =	shalt  }
0x6d: {  	_ =	shalt  }
0x6e: {  	_ =	shalt  }
0x6f: {  	_ =	shalt  }
0x70: {  	_ =	shalt  }
0x71: {  	_ =	shalt  }
0x72: {  	_ =	shalt  }
0x73: {  	_ =	shalt  }
0x74: {  	_ =	shalt  }
0x75: {  	_ =	shalt  }
0x76: {  	_ =	shalt  }
0x77: {  	_ =	shalt  }
0x78: {  	_ =	shalt  }
0x79: {  	_ =	shalt  }
0x7a: {  	_ =	shalt  }
0x7b: {  	_ =	shalt  }
0x7c: {  	_ =	shalt  }
0x7d: {  	_ =	shalt  }
0x7e: {  	_ =	shalt  }
0x7f: {  	_ =	shalt  }
0x80: {  	_ =	shalt  }
0x81: {  	_ =	shalt  }
0x82: {  	_ =	shalt  }
0x83: {  	_ =	shalt  }
0x84: {  	_ =	shalt  }
0x85: {  	_ =	shalt  }
0x86: {  	_ =	shalt  }
0x87: {  	_ =	shalt  }
.Lfunc_end0:
.L_simem_size_0:
called_computation.1_lowered:
.L_overlay_start_0:
0x88: {  	s2 =	sld [smem:$0x3FD9]  }
0x89: {  	s3 =	sld [smem:$0x3FFE];
	_ =	sdelay $0x1  }
0x8a: {  	s1 =	srdreg.scid  }
0x8b: {  	s0 =	sand.u32 $0x1, s1  }
0x8c: {  	s17 =	sshll.u32 s0, $0xA;
	s2 =	sadd.s32 s3, s2  }
0x8d: {  	s2 =	sadd.s32 s2, s17  }
0x8e: {  	[smem:$0x3FB7] =	sst s2  }
0x8f: {  	_ = 	snop  }
0x90: {  	s18 =	sld [smem:$0x3FC9]  }
0x91: {  	s4 =	sld [smem:$0x3FC5]  }
0x92: {  	s5 =	sld [smem:$0x3FC4];
	(tm) =	ssettm $0x1  }
0x93: {  	s19 =	sld [smem:$0x3FFB];
	_ =	sdelay $0x3  }
0x94: {  	_ =	strace s19  }
0x95: {  	s2 =	sld [smem:$0x3FFC];
	_ =	sdelay $0x3  }
0x96: {  	_ =	strace s2  }
0x97: {  	s2 =	sld [smem:$0x3FFD];
	_ =	sdelay $0x3  }
0x98: {  	_ =	strace s2  }
0x99: {  	_ =	strace $0x8FFFFFFF  }
0x9a: {  	s20 =	sld [smem:$0x3FDB];
	_ =	sdelay $0x1  }
0x9b: {  	s6 =	simm.s32 $_scs_section_size  }
0x9c: {  	s7 =	simm.s32 $_size__tile_overlayer_lowered;
	s8 =	simm.s32 $_tile_overlayer_lowered  }
0x9d: {  	s9 =	simm.s32 $0x1BFF;
	s21 =	sshll.u32 s8, $0x1;
	s6 =	sadd.s32 s6, s20  }
0x9e: {  	s22 =	simm.s32 $0x0;
	s7 =	sshll.u32 s7, $0x1;
	s8 =	sadd.s32 s21, s6  }
0x9f: {  	[timem:s22], [sflag:s9] =	dma.local [hbm:s8], s7  }
0xa0: {  	_ =	swait.ge [sflag:s9], s7  }
0xa1: {  	s7 =	ssub.s32 $0x0, s7;
	[sflag:s9] =	ssyncset.done $0x0  }
0xa2: {  	[sflag:s9] =	ssyncadd.s32 s7;
	_ =	sdelay $0x1  }
0xa3: {  	s23 =	simm.s32 $0x1B8B  }
0xa4: {  	_ =	swait.ge [sflag:s23], $0x1  }
0xa5: {  	[sflag:s23] =	ssyncset.done $0x0  }
0xa6: {  	[sflag:s23] =	ssyncadd.s32 $0xFFFFFFFF  }
0xa7: {  	s7 =	sld [smem:$0x0]  }
0xa8: {  	s8 =	sand.u32 $0xFFFFFFFE, s1  }
0xa9: {  	p0 =	sne.s32 s1, s8  }
0xaa: {  	s8 =	sshll.u32 @p0 s8, $0xE  }
0xab: {  	s8 =	sadd.s32 @p0 $0x11B8D, s8;
	s9 =	sshll.u32 @p0 s7, $0x11  }
0xac: {  	s8 =	sor.u32 @p0 s9, s8  }
0xad: {  	[sflag:s8] =	ssyncadd.remote.s32 @p0 $0x1;
	_ =	sdelay $0x1  }
0xae: {  	s8 =	simm.s32 @p0 $0x1B8D  }
0xaf: {  	_ =	swait.eq @p0 [sflag:s8], $0x1  }
0xb0: {  	[sflag:s8] =	ssyncadd.s32 @p0 $0xFFFFFFFF  }
0xb1: {  	s9 =	sshll.u32 @!p0 s1, $0xE  }
0xb2: {  	s9 =	sor.u32 @!p0 $0x4000, s9;
	s8 =	simm.s32 @!p0 $0x1B8D  }
0xb3: {  	s7 =	sshll.u32 @!p0 s7, $0x11;
	s9 =	sadd.s32 @!p0 $0x11B8D, s9;
	_ =	swait.eq @!p0 [sflag:s8], $0x1  }
0xb4: {  	s7 =	sor.u32 @!p0 s7, s9;
	[sflag:s8] =	ssyncadd.s32 @!p0 $0xFFFFFFFF  }
0xb5: {  	s25 =	simm.s32 $0x1B8E;
	s24 =	sld [smem:$0x3FFE];
	[sflag:s7] =	ssyncadd.remote.s32 @!p0 $0x1  }
0xb6: {  	s26 =	simm.s32 $execute0_lowered;
	[smem:$0x3FD2] =	sst s25  }
0xb7: {  	s8 =	sshll.u32 s26, $0x1;
	_ =	strace $0x80000049;
	[dreg:$0x1] =	wrdreg $0xFFFFFFFF  }
0xb8: {  	s28 =	simm.s32 $_size_execute0_lowered;
	s6 =	sadd.s32 s6, s8;
	[dreg:$0x0] =	wrdreg $0x0  }
0xb9: {  	s8 =	sshll.u32 s28, $0x1;
	[dreg:$0x2] =	wrdreg s6  }
0xba: {  	[dreg:$0x3] =	wrdreg s8  }
0xbb: {  	[dreg:$0x4] =	wrdreg $0xC0  }
0xbc: {  	_ =	task [dreg:s22], $0x5FFFF  }
0xbd: {  	[dreg:$0x1] =	wrdreg $0xFFFFFFFF  }
0xbe: {  	[dreg:$0x0] =	wrdreg $0x60  }
0xbf: {  	[dreg:$0x2] =	wrdreg s18  }
0xc0: {  	[dreg:$0x3] =	wrdreg s4  }
0xc1: {  	[dreg:$0x4] =	wrdreg s5  }
0xc2: {  	[dreg:$0x5] =	wrdreg s24  }
0xc3: {  	[dreg:$0x6] =	wrdreg $0xA  }
0xc4: {  	_ =	task.clear_ibuf [dreg:s22], $0x7FFFF;
	_ =	strace $0x90000049  }
0xc5: {  	s29 =	simm.s32 $0xA;
	_ =	strace $0x8000004B  }
0xc6: {  	_ =	swait.ge [sflag:s29], $0x1  }
0xc7: {  	[sflag:s29] =	ssyncadd.s32 $0xFFFFFFFF  }
0xc8: {  	_ =	strace $0x9000004B  }
0xc9: {  	_ =	sfence  }
0xca: {  	s30 =	sld [smem:$0x0];
	_ =	sdelay $0x2  }
0xcb: {  	s31 =	sshll.u32 s1, $0xD;
	s1 =	sshrl.u32 s1, $0x2  }
0xcc: {  	s4 =	sand.u32 $0x4000, s31;
	s1 =	sadd.s32 s1, s30  }
0xcd: {  	s0 =	sor.u32 s4, s0;
	s1 =	sshll.u32 s1, $0x11  }
0xce: {  	s0 =	sor.u32 s1, s0  }
0xcf: {  	s0 =	sadd.s32 $0x8F2B, s0  }
0xd0: {  	[sflag:s0] =	ssyncadd.remote.s32 $0x1  }
0xd1: {  	_ =	sfence.sel $0xFFFF  }
0xd2: {  	[dreg:$0x0] =	wrdreg $0xFFFFFFFF;
	(pc) =	sbr.abs _section_cstart, $3  }
0xd3: {  	[dreg:$0x1] =	wrdreg $0xFFFFFFFF  }
0xd4: {  	_ =	task.clear_ibuf [dreg:s22], $0x2FFFF;
	_ =	strace $0x9FFFFFFF  }
0xd5: {  	(tm) =	ssettm $0x7FFFFFFF  }
tec
execute0_lowered:
.L_overlay_start_1:
0x0: {  	(tag) =	ssettag $0x1  }
0x1: {  	s5 =	rddreg [dreg:$0x0]  }
0x2: {  	s2 =	rddreg [dreg:$0x1]  }
0x3: {  	s3 =	rddreg [dreg:$0x2]  }
0x4: {  	s10 =	rddreg [dreg:$0x3];
	s4 =	srdreg.scid  }
0x5: {  	s0 =	rddreg [dreg:$0x4];
	s1 =	stileid.u32;
	s11 =	sand.u32 $0x1, s4  }
0x6: {  	s4 =	simm.s32 $0x0;
	s6 =	sshll.u32 s1, $0x5;
	s7 =	sshll.u32 s11, $0x4  }
0x7: {  	[smem:$0x7FF] =	sst s4;
	s12 =	sor.u32 s7, s6  }
0x8: {  	_ =	strace $0x8000004A;
	s6 =	sadd.s32 s5, s12;
	s5 =	simm.s32 $0x2  }
0x9: {  	[tilespmem:s4], [sflag:$0x2] =	stream.linear.gather [hbm4b:s6+s4], $0x80, $0x38;
	[tilespmem:$0x180] =	vst v63  }
0xa: {  	_ =	swait.ge [sflag:s5], $0x80  }
0xb: {  	[sflag:s5] =	ssyncset.done $0x0  }
0xc: {  	s7 =	simm.s32 $0x80;
	[sflag:s5] =	ssyncadd.s32 $0xFFFFFF80  }
0xd: {  	[tilespmem:s7], [sflag:$0x1] =	stream.indirect.gather [hbm4b:s2+s7], $0x1, s4, s7, $0xb8;
	[tilespmem:$0x180] =	vst v63  }
0xe: {  	s8 =	simm.s32 $0x100;
	s9 =	simm.s32 $0x1  }
0xf: {  	[tilespmem:s8], [sflag:$0x1] =	stream.indirect.gather [hbm4b:s3+s7], $0x1, s4, s7, $0xb8;
	[tilespmem:$0x180] =	vst v63  }
0x10: {  	_ =	swait.ge [sflag:s9], $0x80  }
0x11: {  	[sflag:s9] =	ssyncset.done $0x0  }
0x12: {  	s11 =	ssub.s32 $0x2, s11;
	[sflag:s9] =	ssyncadd.s32 $0xFFFFFF80  }
0x13: {  	s13 =	sshrl.u32 s11, $0x1;
	_ =	swait.ge [sflag:s9], $0x80  }
0x14: {  	s12 =	sadd.s32 s12, s10;
	s13 =	ssub.s32 s11, s13;
	[sflag:s9] =	ssyncset.done $0x0  }
0x15: {  	s10 =	sadd.s32 $0x189A00, s12;
	s31 =	smax.u32 s13, $0x1;
	[sflag:s9] =	ssyncadd.s32 $0xFFFFFF80  }
0x16: {  	[hbm4b:s10+s4] =	stream.linear.scatter [tilespmem:s7], [sflag:$0x2], $0x80, $0x38;
	[tilespmem:$0x180] =	vst v63  }
0x17: {  	p0 =	sne.s32 s31, $0x1;
	_ =	swait.ge [sflag:s5], $0x80  }
.Ltmp0:
0x18: {  	[sflag:s5] =	ssyncset.done $0x0;
	(pc) =	sbr.rel @!p0 .LBB2_2-.Ltmp0, $4  }
0x19: {  	s11 =	sadd.s32 $0x189C00, s12;
	[sflag:s5] =	ssyncadd.s32 $0xFFFFFF80  }
0x1a: {  	[hbm4b:s11+s4] =	stream.linear.scatter [tilespmem:s8], [sflag:$0x2], $0x80, $0x38;
	[tilespmem:$0x180] =	vst v63  }
0x1b: {  	_ =	swait.ge [sflag:s5], $0x80  }
0x1c: {  	s12 =	sadd.s32 $0xFFFFFFFF, s31;
	[sflag:s5] =	ssyncset.done $0x0  }
.LBB2_1:
0x1d: {  	p0 =	sne.s32 s12, $0x1;
	s12 =	sadd.s32 $0xFFFFFFFF, s12;
	[sflag:s5] =	ssyncadd.s32 $0xFFFFFF80  }
0x1e: {  	[tilespmem:s4], [sflag:$0x2] =	stream.linear.gather [hbm4b:s6+s4], $0x80, $0x38;
	[tilespmem:$0x180] =	vst v63  }
0x1f: {  	_ =	swait.ge [sflag:s5], $0x80  }
0x20: {  	[sflag:s5] =	ssyncset.done $0x0  }
0x21: {  	[sflag:s5] =	ssyncadd.s32 $0xFFFFFF80  }
0x22: {  	[tilespmem:s7], [sflag:$0x1] =	stream.indirect.gather [hbm4b:s2+s7], $0x1, s4, s7, $0xb8;
	[tilespmem:$0x180] =	vst v63  }
0x23: {  	_ = 	snop  }
0x24: {  	[tilespmem:s8], [sflag:$0x1] =	stream.indirect.gather [hbm4b:s3+s7], $0x1, s4, s7, $0xb8;
	[tilespmem:$0x180] =	vst v63  }
0x25: {  	_ =	swait.ge [sflag:s9], $0x80  }
0x26: {  	[sflag:s9] =	ssyncset.done $0x0  }
0x27: {  	[sflag:s9] =	ssyncadd.s32 $0xFFFFFF80  }
0x28: {  	_ =	swait.ge [sflag:s9], $0x80  }
0x29: {  	[sflag:s9] =	ssyncset.done $0x0  }
0x2a: {  	[sflag:s9] =	ssyncadd.s32 $0xFFFFFF80  }
0x2b: {  	[hbm4b:s10+s4] =	stream.linear.scatter [tilespmem:s7], [sflag:$0x2], $0x80, $0x38;
	[tilespmem:$0x180] =	vst v63  }
0x2c: {  	_ =	swait.ge [sflag:s5], $0x80  }
.Ltmp1:
0x2d: {  	[sflag:s5] =	ssyncset.done $0x0;
	(pc) =	sbr.rel @p0 .LBB2_1-.Ltmp1, $4  }
0x2e: {  	[sflag:s5] =	ssyncadd.s32 $0xFFFFFF80  }
0x2f: {  	[hbm4b:s11+s4] =	stream.linear.scatter [tilespmem:s8], [sflag:$0x2], $0x80, $0x38;
	[tilespmem:$0x180] =	vst v63  }
0x30: {  	_ =	swait.ge [sflag:s5], $0x80  }
0x31: {  	[sflag:s5] =	ssyncset.done $0x0  }
.LBB2_2:
0x32: {  	[sflag:s5] =	ssyncadd.s32 $0xFFFFFF80  }
0x33: {  	_ =	sfence.sel $0x180000  }
0x34: {  	[bflag:$0x0] =	sbarrier.arrive $0xFFFF  }
0x35: {  	p0 =	sne.s32 s1, $0x0;
	_ =	strace $0x9000004A  }
0x36: {  	s0 =	sadd.s32 @!p0 $0x100000, s0;
	[bflag:$0x2] =	sbarrier.arrive $0xFFFF  }
0x37: {  	[sflag:s0] =	ssyncadd.tile.s32 @!p0 $0x1;
	_ =	shalt  }
.Lfunc_end2:
_tile_overlayer_lowered:
.L_overlay_start_2:
0x38: {  	(tag) =	ssettag $0x2  }
0x39: {  	s0 =	rddreg [dreg:$0x0];
	s2 =	stileid.u32  }
0x3a: {  	s1 =	rddreg [dreg:$0x1];
	p0 =	sne.s32 s2, $0x0  }
0x3b: {  	s3 =	rddreg [dreg:$0x2];
	[bflag:$0x3] =	sbarrier.arrive $0xFFFF;
	s2 =	simm.s32 @!p0 $0x1C02  }
0x3c: {  	[timem:s3], [sflag:s2] =	dma.local @!p0 [hbm:s0], s1  }
0x3d: {  	s0 =	simm.s32 @!p0 $0x2  }
0x3e: {  	_ =	swait.ge @!p0 [sflag:s0], s1  }
0x3f: {  	s1 =	ssub.s32 @!p0 $0x0, s1;
	[sflag:s0] =	ssyncset.done @!p0 $0x0  }
0x40: {  	[sflag:s0] =	ssyncadd.s32 @!p0 s1  }
0x41: {  	[bflag:$0x3] =	sbarrier.arrive $0xFFFF  }
0x42: {  	_ =	shalt  }

</sc_bundles>
